<compile_context>
chip_gen: v7x
topology: tpu7x:2x2x1
jax: 0.10.2.dev20260603
libtpu: 0.0.44.dev20260713+nightly
codegen_flags: <defaults>
</compile_context>

<pallas_src>
import functools

import jax
import jax.numpy as jnp
from jax import lax
from jax.experimental import pallas as pl
from jax.experimental.pallas import tpu as pltpu
from jax.experimental.pallas import tpu_sc as plsc

VOCAB = 8192
D = 8192
DH = D // 2
NC = 2
NS = 16
NW = NC * NS
K = 8


def _make_gather(n):
    pw = n // (NW // 2)
    chunks = pw // K
    pairs = chunks // 2
    mesh = plsc.VectorSubcoreMesh(core_axis_name="c", subcore_axis_name="s")

    @functools.partial(
        pl.kernel,
        mesh=mesh,
        out_type=jax.ShapeDtypeStruct((n, D), jnp.float32),
        scratch_types=[
            pltpu.VMEM((pw,), jnp.int32),
            [pltpu.VMEM((K, DH), jnp.float32)] * 2,
            [pltpu.SemaphoreType.DMA] * 2,
            [pltpu.SemaphoreType.DMA] * 2,
        ],
    )
    def gather_kernel(table_hbm, idx_hbm, out_hbm, idx_v, rows_v, gsems, ssems):
        cid = lax.axis_index("c")
        sid = lax.axis_index("s")
        wid = sid * NC + cid
        rw = wid // 2
        col0 = (wid % 2) * DH
        base = rw * pw
        t_per = idx_hbm.shape[1]
        pltpu.sync_copy(
            idx_hbm.at[base // t_per, pl.ds(base % t_per, pw)], idx_v
        )

        def g_copy(g, c):
            return pltpu.make_async_copy(
                table_hbm.at[idx_v.at[pl.ds(c * K, K)], pl.ds(col0, DH)],
                rows_v[g],
                gsems[g],
            )

        def s_copy(g, c):
            return pltpu.make_async_copy(
                rows_v[g],
                out_hbm.at[pl.ds(base + c * K, K), pl.ds(col0, DH)],
                ssems[g],
            )

        g_copy(0, 0).start()

        def pair_body(r2, carry):
            ca = 2 * r2
            cb = ca + 1
            g_copy(0, ca).wait()
            s_copy(0, ca).start()
            @pl.when(r2 > 0)
            def _():
                s_copy(1, cb - 2).wait()
            g_copy(1, cb).start()
            g_copy(1, cb).wait()
            s_copy(1, cb).start()
            s_copy(0, ca).wait()
            @pl.when(r2 < pairs - 1)
            def _():
                g_copy(0, ca + 2).start()
            return carry

        lax.fori_loop(0, pairs, pair_body, 0)

        s_copy(1, 2 * pairs - 1).wait()

    return gather_kernel


def kernel(idx, logits_table):
    b, t = idx.shape
    n = b * t
    out2 = _make_gather(n)(logits_table, idx.astype(jnp.int32))
    return out2.reshape(b, t, D)

# --- scband reference (transcript-rebuilt; emitter-appended) ---
"""Pipeline reference for scband-bigram-83631603187884 (READ-ONLY COPY).

The authoritative reference and input builder live on the scoring server;
editing this copy changes nothing except your own understanding.
"""

import jax, jax.numpy as jnp
import numpy as np

VOCAB = 8192


def setup_inputs(seed: int = 0) -> dict:
    key = jax.random.key(seed)
    k1, k2 = jax.random.split(key)
    idx = jax.random.randint(k1, (8, 1024), 0, VOCAB, dtype=jnp.int64) if jax.config.jax_enable_x64 else jax.random.randint(k1, (8, 1024), 0, VOCAB, dtype=jnp.int32)
    # Learned parameter: bigram logits table [vocab, vocab].
    # Original inits to zeros; use small random values so the output is nondegenerate.
    logits_table = jax.random.normal(k2, (VOCAB, VOCAB), dtype=jnp.float32) * 0.02
    return {"idx": idx, "logits_table": logits_table}


def reference(idx, logits_table):
    # Bigram.forward with targets=None: logits = self.logits[idx]
    logits = jnp.take(logits_table, idx, axis=0)
    return logits

if __name__ == "__main__":
    import jax
    _d = setup_inputs()
    print(jax.jit(kernel)(*tuple(_d.values())))

</pallas_src>

<mosaic_0001>
#map = affine_map<(d0, d1) -> (0, 0)>
module attributes {stable_mosaic.version = 14 : i64} {
  func.func @gather_kernel(%arg0: i32, %arg1: i32, %arg2: memref<8192x8192xf32, #tpu.memory_space<hbm>>, %arg3: memref<8x1024xi32, #tpu.memory_space<hbm>>, %arg4: memref<8192x8192xf32, #tpu.memory_space<hbm>>, %arg5: memref<512xi32, #tpu.memory_space<vmem>>, %arg6: memref<8x4096xf32, #tpu.memory_space<vmem>>, %arg7: memref<8x4096xf32, #tpu.memory_space<vmem>>, %arg8: memref<!tpu.dma_semaphore, #tpu.memory_space<semaphore_mem>>, %arg9: memref<!tpu.dma_semaphore, #tpu.memory_space<semaphore_mem>>, %arg10: memref<!tpu.dma_semaphore, #tpu.memory_space<semaphore_mem>>, %arg11: memref<!tpu.dma_semaphore, #tpu.memory_space<semaphore_mem>>) attributes {dimension_semantics = [#tpu.dimension_semantics<core_parallel>, #tpu.dimension_semantics<subcore_parallel>], iteration_bounds = array<i64: 2, 16>, scalar_prefetch = 0 : i64, scratch_operands = 7 : i64, tpu.core_type = #tpu.core_type<sc_vector_subcore>, window_params = [{transform_indices = #map}, {transform_indices = #map}, {transform_indices = #map}]} {
    %mul3A = arith.constant 2 : i32
    %mul3A_0 = arith.muli %arg1, %mul3A : i32
    %add3A = arith.addi %mul3A_0, %arg0 : i32
    %jit3A = arith.constant 2 : i32
    %div3A = arith.divsi %add3A, %jit3A : i32
    %sign3A = arith.constant 0 : i32
    %sign3A_1 = arith.cmpi sgt, %add3A, %sign3A : i32
    %sign3A_2 = arith.extui %sign3A_1 : i1 to i32
    %sign3A_3 = arith.constant 0 : i32
    %sign3A_4 = arith.cmpi slt, %add3A, %sign3A_3 : i32
    %sign3A_5 = arith.extui %sign3A_4 : i1 to i32
    %sign3A_6 = arith.subi %sign3A_2, %sign3A_5 : i32
    %sign3A_7 = arith.constant 0 : i32
    %sign3A_8 = arith.cmpi sgt, %jit3A, %sign3A_7 : i32
    %sign3A_9 = arith.extui %sign3A_8 : i1 to i32
    %sign3A_10 = arith.constant 0 : i32
    %sign3A_11 = arith.cmpi slt, %jit3A, %sign3A_10 : i32
    %sign3A_12 = arith.extui %sign3A_11 : i1 to i32
    %sign3A_13 = arith.subi %sign3A_9, %sign3A_12 : i32
    %ne3A = arith.cmpi ne, %sign3A_6, %sign3A_13 : i32
    %rem3A = arith.remsi %add3A, %jit3A : i32
    %ne3A_14 = arith.constant 0 : i32
    %ne3A_15 = arith.cmpi ne, %rem3A, %ne3A_14 : i32
    %and3A = arith.andi %ne3A, %ne3A_15 : i1
    %sub3A = arith.constant 1 : i32
    %sub3A_16 = arith.subi %div3A, %sub3A : i32
    %select_n3A = arith.select %and3A, %sub3A_16, %div3A : i32
    %jit3A_17 = arith.constant 2 : i32
    %eq3A = arith.constant 0 : i32
    %eq3A_18 = arith.cmpi eq, %jit3A_17, %eq3A : i32
    %jit3A_19 = arith.constant 1 : i32
    %select_n3A_20 = arith.select %eq3A_18, %jit3A_19, %jit3A_17 : i32
    %rem3A_21 = arith.remsi %add3A, %select_n3A_20 : i32
    %ne3A_22 = arith.constant 0 : i32
    %ne3A_23 = arith.cmpi ne, %rem3A_21, %ne3A_22 : i32
    %lt3A = arith.constant 0 : i32
    %lt3A_24 = arith.cmpi slt, %rem3A_21, %lt3A : i32
    %lt3A_25 = arith.constant 0 : i32
    %lt3A_26 = arith.cmpi slt, %select_n3A_20, %lt3A_25 : i32
    %ne3A_27 = arith.xori %lt3A_24, %lt3A_26 : i1
    %and3A_28 = arith.andi %ne3A_27, %ne3A_23 : i1
    %add3A_29 = arith.addi %rem3A_21, %select_n3A_20 : i32
    %select_n3A_30 = arith.select %and3A_28, %add3A_29, %rem3A_21 : i32
    %mul3A_31 = arith.constant 4096 : i32
    %mul3A_32 = arith.muli %select_n3A_30, %mul3A_31 : i32
    %mul3A_33 = arith.constant 512 : i32
    %mul3A_34 = arith.muli %select_n3A, %mul3A_33 : i32
    %jit3A_35 = arith.constant 1024 : i32
    %div3A_36 = arith.divsi %mul3A_34, %jit3A_35 : i32
    %sign3A_37 = arith.constant 0 : i32
    %sign3A_38 = arith.cmpi sgt, %mul3A_34, %sign3A_37 : i32
    %sign3A_39 = arith.extui %sign3A_38 : i1 to i32
    %sign3A_40 = arith.constant 0 : i32
    %sign3A_41 = arith.cmpi slt, %mul3A_34, %sign3A_40 : i32
    %sign3A_42 = arith.extui %sign3A_41 : i1 to i32
    %sign3A_43 = arith.subi %sign3A_39, %sign3A_42 : i32
    %sign3A_44 = arith.constant 0 : i32
    %sign3A_45 = arith.cmpi sgt, %jit3A_35, %sign3A_44 : i32
    %sign3A_46 = arith.extui %sign3A_45 : i1 to i32
    %sign3A_47 = arith.constant 0 : i32
    %sign3A_48 = arith.cmpi slt, %jit3A_35, %sign3A_47 : i32
    %sign3A_49 = arith.extui %sign3A_48 : i1 to i32
    %sign3A_50 = arith.subi %sign3A_46, %sign3A_49 : i32
    %ne3A_51 = arith.cmpi ne, %sign3A_43, %sign3A_50 : i32
    %rem3A_52 = arith.remsi %mul3A_34, %jit3A_35 : i32
    %ne3A_53 = arith.constant 0 : i32
    %ne3A_54 = arith.cmpi ne, %rem3A_52, %ne3A_53 : i32
    %and3A_55 = arith.andi %ne3A_51, %ne3A_54 : i1
    %sub3A_56 = arith.constant 1 : i32
    %sub3A_57 = arith.subi %div3A_36, %sub3A_56 : i32
    %select_n3A_58 = arith.select %and3A_55, %sub3A_57, %div3A_36 : i32
    %jit3A_59 = arith.constant 1024 : i32
    %eq3A_60 = arith.constant 0 : i32
    %eq3A_61 = arith.cmpi eq, %jit3A_59, %eq3A_60 : i32
    %jit3A_62 = arith.constant 1 : i32
    %select_n3A_63 = arith.select %eq3A_61, %jit3A_62, %jit3A_59 : i32
    %rem3A_64 = arith.remsi %mul3A_34, %select_n3A_63 : i32
    %ne3A_65 = arith.constant 0 : i32
    %ne3A_66 = arith.cmpi ne, %rem3A_64, %ne3A_65 : i32
    %lt3A_67 = arith.constant 0 : i32
    %lt3A_68 = arith.cmpi slt, %rem3A_64, %lt3A_67 : i32
    %lt3A_69 = arith.constant 0 : i32
    %lt3A_70 = arith.cmpi slt, %select_n3A_63, %lt3A_69 : i32
    %ne3A_71 = arith.xori %lt3A_68, %lt3A_70 : i1
    %and3A_72 = arith.andi %ne3A_71, %ne3A_66 : i1
    %add3A_73 = arith.addi %rem3A_64, %select_n3A_63 : i32
    %select_n3A_74 = arith.select %and3A_72, %add3A_73, %rem3A_64 : i32
    "tpu.region"() ({
      %run_scoped3A = tpu.sem_alloc : memref<!tpu.dma_semaphore, #tpu.memory_space<semaphore_mem>>
      %dma_start3A_86 = tpu.memref_slice %arg3[%select_n3A_58, %select_n3A_74] : memref<8x1024xi32, #tpu.memory_space<hbm>> -> memref<1x512xi32, #tpu.memory_space<hbm>>
      %dma_start3A_87 = tpu.memref_squeeze %dma_start3A_86 : memref<1x512xi32, #tpu.memory_space<hbm>> -> memref<512xi32, #tpu.memory_space<hbm>>
      %dma_start3A_88 = tpu.memref_slice %arg3[%select_n3A_58, %select_n3A_74] : memref<8x1024xi32, #tpu.memory_space<hbm>> -> memref<1x512xi32, #tpu.memory_space<hbm>>
      %dma_start3A_89 = tpu.memref_squeeze %dma_start3A_88 : memref<1x512xi32, #tpu.memory_space<hbm>> -> memref<512xi32, #tpu.memory_space<hbm>>
      tpu.enqueue_dma source(%dma_start3A_89 : memref<512xi32, #tpu.memory_space<hbm>>) target(%arg5 : memref<512xi32, #tpu.memory_space<vmem>>) target_semaphore(%run_scoped3A : memref<!tpu.dma_semaphore, #tpu.memory_space<semaphore_mem>>)
      %dma_wait3A_90 = tpu.memref_slice %arg3[%select_n3A_58, %select_n3A_74] : memref<8x1024xi32, #tpu.memory_space<hbm>> -> memref<1x512xi32, #tpu.memory_space<hbm>>
      %dma_wait3A_91 = tpu.memref_squeeze %dma_wait3A_90 : memref<1x512xi32, #tpu.memory_space<hbm>> -> memref<512xi32, #tpu.memory_space<hbm>>
      %dma_wait3A_92 = tpu.memref_slice %arg3[%select_n3A_58, %select_n3A_74] : memref<8x1024xi32, #tpu.memory_space<hbm>> -> memref<1x512xi32, #tpu.memory_space<hbm>>
      %dma_wait3A_93 = tpu.memref_squeeze %dma_wait3A_92 : memref<1x512xi32, #tpu.memory_space<hbm>> -> memref<512xi32, #tpu.memory_space<hbm>>
      tpu.wait_dma2 semaphore(%run_scoped3A : memref<!tpu.dma_semaphore, #tpu.memory_space<semaphore_mem>>) src(%dma_wait3A_93 : memref<512xi32, #tpu.memory_space<hbm>>) dst(%arg5 : memref<512xi32, #tpu.memory_space<vmem>>)
      tpu.yield
    }) : () -> ()
    %dma_start3A = arith.constant 0 : i32
    %dma_start3A_75 = tpu.memref_slice %arg5[%dma_start3A] : memref<512xi32, #tpu.memory_space<vmem>> -> memref<8xi32, #tpu.memory_space<vmem>>
    %dma_start3A_76 = arith.constant 0 : i32
    %dma_start3A_77 = tpu.memref_slice %arg2[%dma_start3A_76, %mul3A_32] : memref<8192x8192xf32, #tpu.memory_space<hbm>> -> memref<8192x4096xf32, #tpu.memory_space<hbm>>
    tpu.enqueue_indirect_dma source(%dma_start3A_77 : memref<8192x4096xf32, #tpu.memory_space<hbm>>) target(%arg6 : memref<8x4096xf32, #tpu.memory_space<vmem>>) offsets(%dma_start3A_75 : memref<8xi32, #tpu.memory_space<vmem>>) semaphore(%arg8 : memref<!tpu.dma_semaphore, #tpu.memory_space<semaphore_mem>>)
    %scan3A = arith.constant 0 : i32
    %scan3A_78 = arith.constant 0 : i32
    %scan3A_79 = arith.constant 32 : i32
    %scan3A_80 = arith.addi %scan3A_78, %scan3A_79 : i32
    %scan3A_81 = arith.constant 1 : i32
    scf.for %scan3A_86 = %scan3A_78 to %scan3A_80 step %scan3A_81  : i32 {
      %mul3A_87 = arith.constant 2 : i32
      %mul3A_88 = arith.muli %mul3A_87, %scan3A_86 : i32
      %add3A_89 = arith.constant 1 : i32
      %add3A_90 = arith.addi %mul3A_88, %add3A_89 : i32
      %mul3A_91 = arith.constant 8 : i32
      %mul3A_92 = arith.muli %mul3A_88, %mul3A_91 : i32
      %dma_wait3A_93 = tpu.memref_slice %arg5[%mul3A_92] : memref<512xi32, #tpu.memory_space<vmem>> -> memref<8xi32, #tpu.memory_space<vmem>>
      %dma_wait3A_94 = arith.constant 0 : i32
      %dma_wait3A_95 = tpu.memref_slice %arg2[%dma_wait3A_94, %mul3A_32] : memref<8192x8192xf32, #tpu.memory_space<hbm>> -> memref<8192x4096xf32, #tpu.memory_space<hbm>>
      tpu.wait_indirect_dma semaphore(%arg8 : memref<!tpu.dma_semaphore, #tpu.memory_space<semaphore_mem>>) src(%dma_wait3A_95 : memref<8192x4096xf32, #tpu.memory_space<hbm>>) dst(%arg6 : memref<8x4096xf32, #tpu.memory_space<vmem>>)
      %mul3A_96 = arith.constant 8 : i32
      %mul3A_97 = arith.muli %mul3A_88, %mul3A_96 : i32
      %add3A_98 = arith.addi %mul3A_34, %mul3A_97 : i32
      %dma_start3A_99 = tpu.memref_slice %arg4[%add3A_98, %mul3A_32] : memref<8192x8192xf32, #tpu.memory_space<hbm>> -> memref<8x4096xf32, #tpu.memory_space<hbm>>
      %dma_start3A_100 = tpu.memref_slice %arg4[%add3A_98, %mul3A_32] : memref<8192x8192xf32, #tpu.memory_space<hbm>> -> memref<8x4096xf32, #tpu.memory_space<hbm>>
      tpu.enqueue_dma source(%arg6 : memref<8x4096xf32, #tpu.memory_space<vmem>>) target(%dma_start3A_100 : memref<8x4096xf32, #tpu.memory_space<hbm>>) target_semaphore(%arg10 : memref<!tpu.dma_semaphore, #tpu.memory_space<semaphore_mem>>)
      %gt3A = arith.constant 0 : i32
      %gt3A_101 = arith.cmpi sgt, %scan3A_86, %gt3A : i32
      %convert_element_type3A = arith.extui %gt3A_101 : i1 to i32
      %cond3A = arith.constant 0 : i32
      %cond3A_102 = arith.cmpi ne, %convert_element_type3A, %cond3A : i32
      scf.if %cond3A_102 {
        %sub3A_128 = arith.constant 2 : i32
        %sub3A_129 = arith.subi %add3A_90, %sub3A_128 : i32
        %mul3A_130 = arith.constant 8 : i32
        %mul3A_131 = arith.muli %sub3A_129, %mul3A_130 : i32
        %add3A_132 = arith.addi %mul3A_34, %mul3A_131 : i32
        %dma_wait3A_133 = tpu.memref_slice %arg4[%add3A_132, %mul3A_32] : memref<8192x8192xf32, #tpu.memory_space<hbm>> -> memref<8x4096xf32, #tpu.memory_space<hbm>>
        %dma_wait3A_134 = tpu.memref_slice %arg4[%add3A_132, %mul3A_32] : memref<8192x8192xf32, #tpu.memory_space<hbm>> -> memref<8x4096xf32, #tpu.memory_space<hbm>>
        tpu.wait_dma2 semaphore(%arg11 : memref<!tpu.dma_semaphore, #tpu.memory_space<semaphore_mem>>) src(%arg7 : memref<8x4096xf32, #tpu.memory_space<vmem>>) dst(%dma_wait3A_134 : memref<8x4096xf32, #tpu.memory_space<hbm>>)
      } else {
      }
      %mul3A_103 = arith.constant 8 : i32
      %mul3A_104 = arith.muli %add3A_90, %mul3A_103 : i32
      %dma_start3A_105 = tpu.memref_slice %arg5[%mul3A_104] : memref<512xi32, #tpu.memory_space<vmem>> -> memref<8xi32, #tpu.memory_space<vmem>>
      %dma_start3A_106 = arith.constant 0 : i32
      %dma_start3A_107 = tpu.memref_slice %arg2[%dma_start3A_106, %mul3A_32] : memref<8192x8192xf32, #tpu.memory_space<hbm>> -> memref<8192x4096xf32, #tpu.memory_space<hbm>>
      tpu.enqueue_indirect_dma source(%dma_start3A_107 : memref<8192x4096xf32, #tpu.memory_space<hbm>>) target(%arg7 : memref<8x4096xf32, #tpu.memory_space<vmem>>) offsets(%dma_start3A_105 : memref<8xi32, #tpu.memory_space<vmem>>) semaphore(%arg9 : memref<!tpu.dma_semaphore, #tpu.memory_space<semaphore_mem>>)
      %mul3A_108 = arith.constant 8 : i32
      %mul3A_109 = arith.muli %add3A_90, %mul3A_108 : i32
      %dma_wait3A_110 = tpu.memref_slice %arg5[%mul3A_109] : memref<512xi32, #tpu.memory_space<vmem>> -> memref<8xi32, #tpu.memory_space<vmem>>
      %dma_wait3A_111 = arith.constant 0 : i32
      %dma_wait3A_112 = tpu.memref_slice %arg2[%dma_wait3A_111, %mul3A_32] : memref<8192x8192xf32, #tpu.memory_space<hbm>> -> memref<8192x4096xf32, #tpu.memory_space<hbm>>
      tpu.wait_indirect_dma semaphore(%arg9 : memref<!tpu.dma_semaphore, #tpu.memory_space<semaphore_mem>>) src(%dma_wait3A_112 : memref<8192x4096xf32, #tpu.memory_space<hbm>>) dst(%arg7 : memref<8x4096xf32, #tpu.memory_space<vmem>>)
      %mul3A_113 = arith.constant 8 : i32
      %mul3A_114 = arith.muli %add3A_90, %mul3A_113 : i32
      %add3A_115 = arith.addi %mul3A_34, %mul3A_114 : i32
      %dma_start3A_116 = tpu.memref_slice %arg4[%add3A_115, %mul3A_32] : memref<8192x8192xf32, #tpu.memory_space<hbm>> -> memref<8x4096xf32, #tpu.memory_space<hbm>>
      %dma_start3A_117 = tpu.memref_slice %arg4[%add3A_115, %mul3A_32] : memref<8192x8192xf32, #tpu.memory_space<hbm>> -> memref<8x4096xf32, #tpu.memory_space<hbm>>
      tpu.enqueue_dma source(%arg7 : memref<8x4096xf32, #tpu.memory_space<vmem>>) target(%dma_start3A_117 : memref<8x4096xf32, #tpu.memory_space<hbm>>) target_semaphore(%arg11 : memref<!tpu.dma_semaphore, #tpu.memory_space<semaphore_mem>>)
      %mul3A_118 = arith.constant 8 : i32
      %mul3A_119 = arith.muli %mul3A_88, %mul3A_118 : i32
      %add3A_120 = arith.addi %mul3A_34, %mul3A_119 : i32
      %dma_wait3A_121 = tpu.memref_slice %arg4[%add3A_120, %mul3A_32] : memref<8192x8192xf32, #tpu.memory_space<hbm>> -> memref<8x4096xf32, #tpu.memory_space<hbm>>
      %dma_wait3A_122 = tpu.memref_slice %arg4[%add3A_120, %mul3A_32] : memref<8192x8192xf32, #tpu.memory_space<hbm>> -> memref<8x4096xf32, #tpu.memory_space<hbm>>
      tpu.wait_dma2 semaphore(%arg10 : memref<!tpu.dma_semaphore, #tpu.memory_space<semaphore_mem>>) src(%arg6 : memref<8x4096xf32, #tpu.memory_space<vmem>>) dst(%dma_wait3A_122 : memref<8x4096xf32, #tpu.memory_space<hbm>>)
      %lt3A_123 = arith.constant 31 : i32
      %lt3A_124 = arith.cmpi slt, %scan3A_86, %lt3A_123 : i32
      %convert_element_type3A_125 = arith.extui %lt3A_124 : i1 to i32
      %cond3A_126 = arith.constant 0 : i32
      %cond3A_127 = arith.cmpi ne, %convert_element_type3A_125, %cond3A_126 : i32
      scf.if %cond3A_127 {
        %add3A_128 = arith.constant 2 : i32
        %add3A_129 = arith.addi %mul3A_88, %add3A_128 : i32
        %mul3A_130 = arith.constant 8 : i32
        %mul3A_131 = arith.muli %add3A_129, %mul3A_130 : i32
        %dma_start3A_132 = tpu.memref_slice %arg5[%mul3A_131] : memref<512xi32, #tpu.memory_space<vmem>> -> memref<8xi32, #tpu.memory_space<vmem>>
        %dma_start3A_133 = arith.constant 0 : i32
        %dma_start3A_134 = tpu.memref_slice %arg2[%dma_start3A_133, %mul3A_32] : memref<8192x8192xf32, #tpu.memory_space<hbm>> -> memref<8192x4096xf32, #tpu.memory_space<hbm>>
        tpu.enqueue_indirect_dma source(%dma_start3A_134 : memref<8192x4096xf32, #tpu.memory_space<hbm>>) target(%arg6 : memref<8x4096xf32, #tpu.memory_space<vmem>>) offsets(%dma_start3A_132 : memref<8xi32, #tpu.memory_space<vmem>>) semaphore(%arg8 : memref<!tpu.dma_semaphore, #tpu.memory_space<semaphore_mem>>)
      } else {
      }
    }
    %scan3A_82 = arith.constant 32 : i32
    %add3A_83 = arith.constant 504 : i32
    %add3A_84 = arith.addi %mul3A_34, %add3A_83 : i32
    %dma_wait3A = tpu.memref_slice %arg4[%add3A_84, %mul3A_32] : memref<8192x8192xf32, #tpu.memory_space<hbm>> -> memref<8x4096xf32, #tpu.memory_space<hbm>>
    %dma_wait3A_85 = tpu.memref_slice %arg4[%add3A_84, %mul3A_32] : memref<8192x8192xf32, #tpu.memory_space<hbm>> -> memref<8x4096xf32, #tpu.memory_space<hbm>>
    tpu.wait_dma2 semaphore(%arg11 : memref<!tpu.dma_semaphore, #tpu.memory_space<semaphore_mem>>) src(%arg7 : memref<8x4096xf32, #tpu.memory_space<vmem>>) dst(%dma_wait3A_85 : memref<8x4096xf32, #tpu.memory_space<hbm>>)
    return
  }
}

</mosaic_0001>

<sc_bundles>
// kernel: kernel.3.cloned.1.call-start
scs
__scs_entry_jumppad:
0x0: {  	(pc) =	sbr.rel $0x88, $3  }
0x1: {  	(tag) =	ssettag $0x0;
	lr =	simm.s32 $0x1  }
0x2: {  	[smem:$0x3F9F] =	sst lr;
	_ =	strace $0xD0000000  }
0x3: {  	_ = 	snop  }
0x4: {  	_ = 	snop  }
0x5: {  	_ = 	snop  }
0x6: {  	_ = 	snop  }
0x7: {  	_ = 	snop  }
__scs_overlays_trampoline_lowered:
0x8: {  	[smem:$0x3FAE] =	sst s0  }
0x9: {  	[smem:$0x3FAF] =	sst s1  }
0xa: {  	[smem:$0x3FB0] =	sst s2  }
0xb: {  	[smem:$0x3FB1] =	sst s3  }
0xc: {  	[smem:$0x3FB2] =	sst s4  }
0xd: {  	[smem:$0x3FB3] =	sst s5  }
0xe: {  	[smem:$0x3FB4] =	sst s6  }
0xf: {  	[smem:$0x3FB5] =	sst s7  }
0x10: {  	[smem:$0x3FB6] =	sst s8  }
0x11: {  	[smem:$0x3FB7] =	sst s9;
	s0 =	simm.s32 @!p0 $0x0  }
0x12: {  	s1 =	sld [smem:$0x3F9D];
	s0 =	simm.s32 @p0 $0x1  }
0x13: {  	[smem:$0x3FB8] =	sst s0;
	s0 =	simm.s32 @!p1 $0x0  }
0x14: {  	s2 =	sld [smem:$0x3F9C];
	s0 =	simm.s32 @p1 $0x1  }
0x15: {  	[smem:$0x3FB9] =	sst s0;
	s0 =	simm.s32 @!p2 $0x0  }
0x16: {  	s3 =	sld [smem:$0x3FDB];
	s0 =	simm.s32 @p2 $0x1  }
0x17: {  	s4 =	simm.s32 $0x1BF5;
	[smem:$0x3FBB] =	sst s0  }
0x18: {  	s0 =	sld [smem:$0x3F9E];
	_ =	swait.ge [sflag:s4], $0x0  }
0x19: {  	s7 =	sld [smem:$0x3F9F]  }
0x1a: {  	s8 =	sadd.s32 $0xFFFFE003, lr  }
0x1b: {  	s9 =	sadd.s32 $0xFFFFFEF7, lr;
	s5 =	simm.s32 $0xFFFFFFFF;
	p2 =	slt.u32 s8, $0xFFFFF086  }
0x1c: {  	p1 =	slt.u32 s9, $0xF7A;
	s5 =	simm.s32 @!p2 $0x0  }
0x1d: {  	s5 =	simm.s32 @p1 $0x1;
	p0 =	seq.s32 s7, s2  }
0x1e: {  	s7 =	smul.u32 @!p0 $0xF7A, s2;
	p2 =	seq.s32 @!p0 s5, $0x0  }
0x1f: {  	s9 =	smul.u32 $0xF7A, s1;
	s8 =	simm.s32 @!p0 $0x1BF5;
	p2 =	por !p2, p0  }
0x20: {  	[sflag:s8] =	ssyncset.s32 @!p0 $0xFFFFF086;
	s6 =	sadd.s32 @!p0 s3, s7;
	s7 =	simm.s32 @!p0 $0x108  }
0x21: {  	s3 =	sadd.s32 s3, s9;
	s6 =	sadd.s32 @!p0 $0x88, s6;
	s7 =	simm.s32 @p2 $0x1082  }
0x22: {  	[simem:s7], [sflag:s8] =	dma.local @!p0 [hbm:s6], $0xF7A  }
0x23: {  	s9 =	sor.u32 $0xD0000000, s2;
	s6 =	simm.s32 $0x108;
	_ =	swait.ge @!p0 [sflag:s8], $0x0  }
0x24: {  	s3 =	sadd.s32 $0x88, s3;
	s6 =	simm.s32 @!p1 $0x1082;
	[sflag:s4] =	ssyncset.s32 $0xFFFFF086  }
0x25: {  	[simem:s6], [sflag:s4] =	dma.local [hbm:s3], $0xF7A  }
0x26: {  	[smem:$0x3F9F] =	sst s1;
	(tag) =	ssettag s2;
	_ =	strace s9  }
0x27: {  	s1 =	sld [smem:$0x3FAF]  }
0x28: {  	s2 =	sld [smem:$0x3FB0]  }
0x29: {  	s4 =	sld [smem:$0x3FB2]  }
0x2a: {  	p0 =	seq.s32 s5, $0x0;
	s5 =	sld [smem:$0x3FB3]  }
0x2b: {  	s6 =	sld [smem:$0x3FB4]  }
0x2c: {  	s7 =	sld [smem:$0x3FB5]  }
0x2d: {  	s3 =	simm.s32 $0x108;
	s8 =	sld [smem:$0x3FB6]  }
0x2e: {  	s3 =	simm.s32 @!p0 $0x1082;
	s9 =	sld [smem:$0x3FB7]  }
0x2f: {  	lr =	sadd.s32 s0, s3;
	s0 =	sld [smem:$0x3FAE]  }
0x30: {  	s3 =	sld [smem:$0x3FB1]  }
0x31: {  	[smem:$0x3FBA] =	sst s10  }
0x32: {  	s10 =	sld [smem:$0x3FB8];
	_ =	sdelay $0x3  }
0x33: {  	p0 =	seq.s32 s10, $0x1;
	s10 =	sld [smem:$0x3FBA];
	_ =	sdelay $0x3  }
0x34: {  	[smem:$0x3FBA] =	sst s10  }
0x35: {  	s10 =	sld [smem:$0x3FB9];
	_ =	sdelay $0x3  }
0x36: {  	p1 =	seq.s32 s10, $0x1;
	s10 =	sld [smem:$0x3FBA];
	_ =	sdelay $0x3  }
0x37: {  	[smem:$0x3FBA] =	sst s10  }
0x38: {  	s10 =	sld [smem:$0x3FBB]  }
0x39: {  	_ = 	snop;
	(pc) =	sbr.ind lr, $3  }
0x3a: {  	_ = 	snop  }
0x3b: {  	_ = 	snop  }
0x3c: {  	p2 =	seq.s32 s10, $0x1;
	s10 =	sld [smem:$0x3FBA]  }
0x3d: {  	_ =	shalt  }
0x3e: {  	_ =	shalt  }
0x3f: {  	_ =	shalt  }
0x40: {  	_ =	shalt  }
0x41: {  	_ =	shalt  }
0x42: {  	_ =	shalt  }
0x43: {  	_ =	shalt  }
0x44: {  	_ =	shalt  }
0x45: {  	_ =	shalt  }
0x46: {  	_ =	shalt  }
0x47: {  	_ =	shalt  }
0x48: {  	_ =	shalt  }
0x49: {  	_ =	shalt  }
0x4a: {  	_ =	shalt  }
0x4b: {  	_ =	shalt  }
0x4c: {  	_ =	shalt  }
0x4d: {  	_ =	shalt  }
0x4e: {  	_ =	shalt  }
0x4f: {  	_ =	shalt  }
0x50: {  	_ =	shalt  }
0x51: {  	_ =	shalt  }
0x52: {  	_ =	shalt  }
0x53: {  	_ =	shalt  }
0x54: {  	_ =	shalt  }
0x55: {  	_ =	shalt  }
0x56: {  	_ =	shalt  }
0x57: {  	_ =	shalt  }
0x58: {  	_ =	shalt  }
0x59: {  	_ =	shalt  }
0x5a: {  	_ =	shalt  }
0x5b: {  	_ =	shalt  }
0x5c: {  	_ =	shalt  }
0x5d: {  	_ =	shalt  }
0x5e: {  	_ =	shalt  }
0x5f: {  	_ =	shalt  }
0x60: {  	_ =	shalt  }
0x61: {  	_ =	shalt  }
0x62: {  	_ =	shalt  }
0x63: {  	_ =	shalt  }
0x64: {  	_ =	shalt  }
0x65: {  	_ =	shalt  }
0x66: {  	_ =	shalt  }
0x67: {  	_ =	shalt  }
0x68: {  	_ =	shalt  }
0x69: {  	_ =	shalt  }
0x6a: {  	_ =	shalt  }
0x6b: {  	_ =	shalt  }
0x6c: {  	_ =	shalt  }
0x6d: {  	_ =	shalt  }
0x6e: {  	_ =	shalt  }
0x6f: {  	_ =	shalt  }
0x70: {  	_ =	shalt  }
0x71: {  	_ =	shalt  }
0x72: {  	_ =	shalt  }
0x73: {  	_ =	shalt  }
0x74: {  	_ =	shalt  }
0x75: {  	_ =	shalt  }
0x76: {  	_ =	shalt  }
0x77: {  	_ =	shalt  }
0x78: {  	_ =	shalt  }
0x79: {  	_ =	shalt  }
0x7a: {  	_ =	shalt  }
0x7b: {  	_ =	shalt  }
0x7c: {  	_ =	shalt  }
0x7d: {  	_ =	shalt  }
0x7e: {  	_ =	shalt  }
0x7f: {  	_ =	shalt  }
0x80: {  	_ =	shalt  }
0x81: {  	_ =	shalt  }
0x82: {  	_ =	shalt  }
0x83: {  	_ =	shalt  }
0x84: {  	_ =	shalt  }
0x85: {  	_ =	shalt  }
0x86: {  	_ =	shalt  }
0x87: {  	_ =	shalt  }
.Lfunc_end0:
.L_simem_size_0:
called_computation_lowered:
.L_overlay_start_0:
0x88: {  	s2 =	sld [smem:$0x3FD9]  }
0x89: {  	s3 =	sld [smem:$0x3FFE];
	_ =	sdelay $0x1  }
0x8a: {  	s1 =	srdreg.scid  }
0x8b: {  	s0 =	sand.u32 $0x1, s1  }
0x8c: {  	s18 =	sshll.u32 s0, $0xA;
	s2 =	sadd.s32 s3, s2  }
0x8d: {  	s2 =	sadd.s32 s2, s18  }
0x8e: {  	[smem:$0x3FC6] =	sst s2  }
0x8f: {  	_ = 	snop  }
0x90: {  	s2 =	sld [smem:$0x3FC9]  }
0x91: {  	s19 =	sld [smem:$0x3FC8]  }
0x92: {  	s4 =	sld [smem:$0x3FD0];
	(tm) =	ssettm $0x1  }
0x93: {  	s5 =	sld [smem:$0x3FFB];
	_ =	sdelay $0x3  }
0x94: {  	_ =	strace s5  }
0x95: {  	s5 =	sld [smem:$0x3FFC];
	_ =	sdelay $0x3  }
0x96: {  	_ =	strace s5  }
0x97: {  	s5 =	sld [smem:$0x3FFD];
	_ =	sdelay $0x3  }
0x98: {  	_ =	strace s5  }
0x99: {  	_ =	strace $0x8FFFFFFF  }
0x9a: {  	s20 =	sld [smem:$0x3FDB];
	_ =	sdelay $0x1  }
0x9b: {  	s6 =	simm.s32 $_scs_section_size  }
0x9c: {  	s7 =	simm.s32 $_size__tile_overlayer_lowered;
	s8 =	simm.s32 $_tile_overlayer_lowered  }
0x9d: {  	s23 =	simm.s32 $0x1BFF;
	s22 =	sshll.u32 s8, $0x1;
	s5 =	sadd.s32 s6, s20  }
0x9e: {  	s9 =	simm.s32 $0x0;
	s21 =	sshll.u32 s7, $0x1;
	s7 =	sadd.s32 s22, s5  }
0x9f: {  	[timem:s9], [sflag:s23] =	dma.local [hbm:s7], s21  }
0xa0: {  	_ =	swait.ge [sflag:s23], s21  }
0xa1: {  	s6 =	ssub.s32 $0x0, s21;
	[sflag:s23] =	ssyncset.done $0x0  }
0xa2: {  	[sflag:s23] =	ssyncadd.s32 s6;
	_ =	sdelay $0x1  }
0xa3: {  	s24 =	simm.s32 $0x1B8B  }
0xa4: {  	_ =	swait.ge [sflag:s24], $0x1  }
0xa5: {  	[sflag:s24] =	ssyncset.done $0x0  }
0xa6: {  	s25 =	simm.s32 $0x1B8E;
	[sflag:s24] =	ssyncadd.s32 $0xFFFFFFFF  }
0xa7: {  	s26 =	simm.s32 $execute0_lowered;
	[smem:$0x3FD2] =	sst s25  }
0xa8: {  	s6 =	sshll.u32 s26, $0x1;
	_ =	strace $0x80000046;
	[dreg:$0x1] =	wrdreg $0xFFFFFFFF  }
0xa9: {  	s28 =	simm.s32 $_size_execute0_lowered;
	s5 =	sadd.s32 s5, s6;
	[dreg:$0x0] =	wrdreg $0x0  }
0xaa: {  	s6 =	sshll.u32 s28, $0x1;
	[dreg:$0x2] =	wrdreg s5  }
0xab: {  	[dreg:$0x3] =	wrdreg s6  }
0xac: {  	[dreg:$0x4] =	wrdreg $0xC0  }
0xad: {  	_ =	task [dreg:s9], $0x5FFFF  }
0xae: {  	[dreg:$0x1] =	wrdreg $0xFFFFFFFF  }
0xaf: {  	[dreg:$0x0] =	wrdreg $0x60  }
0xb0: {  	[dreg:$0x2] =	wrdreg s19  }
0xb1: {  	[dreg:$0x3] =	wrdreg s2  }
0xb2: {  	[dreg:$0x4] =	wrdreg s4  }
0xb3: {  	[dreg:$0x5] =	wrdreg $0x9  }
0xb4: {  	_ =	task.clear_ibuf [dreg:s9], $0x6FFFF;
	_ =	strace $0x90000046  }
0xb5: {  	s29 =	simm.s32 $0x9;
	_ =	strace $0x80000048  }
0xb6: {  	_ =	swait.ge [sflag:s29], $0x1  }
0xb7: {  	[sflag:s29] =	ssyncadd.s32 $0xFFFFFFFF  }
0xb8: {  	_ =	strace $0x90000048  }
0xb9: {  	_ =	sfence  }
0xba: {  	s30 =	sld [smem:$0x0];
	_ =	sdelay $0x2  }
0xbb: {  	s31 =	sshll.u32 s1, $0xD;
	s1 =	sshrl.u32 s1, $0x2  }
0xbc: {  	s3 =	sand.u32 $0x4000, s31;
	s1 =	sadd.s32 s1, s30  }
0xbd: {  	s0 =	sor.u32 s3, s0;
	s1 =	sshll.u32 s1, $0x11  }
0xbe: {  	s0 =	sor.u32 s1, s0  }
0xbf: {  	s0 =	sadd.s32 $0x8F2B, s0  }
0xc0: {  	[sflag:s0] =	ssyncadd.remote.s32 $0x1  }
0xc1: {  	_ =	sfence.sel $0xFFFF  }
0xc2: {  	[dreg:$0x0] =	wrdreg $0xFFFFFFFF;
	(pc) =	sbr.abs _section_cstart, $3  }
0xc3: {  	[dreg:$0x1] =	wrdreg $0xFFFFFFFF  }
0xc4: {  	_ =	task.clear_ibuf [dreg:s9], $0x2FFFF;
	_ =	strace $0x9FFFFFFF  }
0xc5: {  	(tm) =	ssettm $0x7FFFFFFF  }
tec
execute0_lowered:
.L_overlay_start_1:
0x0: {  	(tag) =	ssettag $0x1  }
0x1: {  	s0 =	srdreg.scid  }
0x2: {  	s2 =	stileid.u32;
	s0 =	sand.u32 $0x1, s0  }
0x3: {  	s1 =	sor.u32 s0, s2  }
0x4: {  	p1 =	seq.s32 s0, $0x1;
	p0 =	seq.s32 s1, $0x0  }
0x5: {  	s4 =	rddreg [dreg:$0x0];
	p0 =	por !p0, !p1  }
0x6: {  	s5 =	rddreg [dreg:$0x1];
	s1 =	simm.s32 $0x1;
	p0 =	por !p0, !p0  }
0x7: {  	s6 =	rddreg [dreg:$0x2];
	s8 =	simm.s32 $0x1;
	s1 =	simm.s32 @!p0 $0x0  }
0x8: {  	s12 =	simm.s32 $0x200;
	s28 =	simm.s32 $0xF200;
	s1 =	ssub.s32 s2, s1  }
0x9: {  	s29 =	simm.s32 $0xFA00;
	s30 =	simm.s32 $0x2;
	s2 =	sand.u32 $0xFFC0, s1  }
0xa: {  	s31 =	simm.s32 $0x3;
	s3 =	sshll.u32 s1, $0x9;
	s2 =	sshrl.u32 s2, $0x6  }
0xb: {  	s20 =	ssub.s32 $0x2, s0;
	s22 =	sshll.u32 s0, $0xF;
	s2 =	sadd.s32 s2, s3  }
0xc: {  	s0 =	sshll.u32 s0, $0xC;
	s7 =	sand.u32 $0x80, s1;
	s2 =	sand.u32 $0xFFFFFC00, s2  }
0xd: {  	p5 =	slt.s32 s1, $0x1;
	s7 =	sshrl.u32 s7, $0x7;
	s3 =	ssub.s32 s3, s2  }
0xe: {  	s7 =	sadd.s32 s7, s1;
	s1 =	sshll.u32 s1, $0x16;
	s2 =	sand.u32 $0xFE00, s3  }
0xf: {  	s10 =	sshrl.u32 s20, $0x1;
	s1 =	sor.u32 s22, s1;
	p6 =	sne.s32 s2, $0x0  }
0x10: {  	s7 =	sshra.s32 s7, $0x1;
	s23 =	sor.u32 $0x10000, s1;
	p0 =	por !p5, !p6  }
0x11: {  	s26 =	sshrl.u32 s1, $0x3;
	s3 =	sshll.u32 s3, $0x3;
	p0 =	por !p0, !p0  }
0x12: {  	s24 =	sshrl.u32 s23, $0x3;
	s2 =	simm.s32 $0x0;
	s8 =	simm.s32 @!p0 $0x0  }
0x13: {  	s3 =	sand.u32 $0x1000, s3;
	[smem:$0x7FF] =	sst s2;
	s7 =	ssub.s32 s7, s8  }
0x14: {  	_ =	strace $0x80000047;
	s8 =	ssub.s32 s20, s10;
	s9 =	sshll.u32 s7, $0xA  }
0x15: {  	s21 =	sshll.u32 s7, $0x7;
	s25 =	smax.u32 s8, $0x1;
	s9 =	sand.u32 $0xFFFFE000, s9  }
0x16: {  	s8 =	sadd.s32 s26, s6;
	s7 =	sand.u32 $0x380, s21;
	s9 =	sor.u32 s3, s9  }
0x17: {  	s26 =	simm.s32 $0xEA00;
	[dreg:$0x5] =	wrdreg s25;
	s7 =	sor.u32 s7, s9  }
.Ltmp0:
0x18: {  	s25 =	simm.s32 $0xE200;
	s7 =	sshrl.u32 s7, $0x3;
	(pc) =	sbr.rel .LBB2_1-.Ltmp0, $4  }
0x19: {  	s3 =	simm.s32 $0x1;
	s9 =	simm.s32 $0x8200;
	s5 =	sadd.s32 s5, s7  }
0x1a: {  	v0 =	vlaneseq.u32;
	s7 =	sadd.s32 s24, s6;
	[dreg:$0x4] =	wrdreg s5;
	s5 =	sadd.s32 s4, s0  }
0x1b: {  	v1 =	vshrl.u32 v0, $0x3;
	s4 =	simm.s32 $0x0;
	s13 =	sadd.s32 $0x100, s5;
	s15 =	sadd.s32 $0x200, s5  }
0x1c: {  	vm0 =	vmmov $0xffff;
	v0 =	vand.u32 $0x7, v0;
	v1 =	vmul.u32 $0x8, v1;
	s17 =	sadd.s32 $0x300, s5;
	s19 =	sadd.s32 $0x400, s5;
	s21 =	sadd.s32 $0x500, s5  }
.LBB2_4:
0x1d: {  	s1 =	simm.s32 $0x4  }
0x1e: {  	_ =	swait.ge [sflag:s1], $0x8000  }
0x1f: {  	s4 =	rddreg [dreg:$0x6]  }
0x20: {  	s0 =	rddreg [dreg:$0x5];
	s4 =	sadd.s32 $0x1, s4  }
0x21: {  	p0 =	sne.s32 s4, s0  }
.Ltmp1:
0x22: {  	_ = 	snop;
	(pc) =	sbr.rel @!p0 .LBB2_5-.Ltmp1, $3  }
0x23: {  	_ =	sdelay $0x1  }
0x24: {  	[sflag:s1] =	ssyncset.done $0x0  }
0x25: {  	[sflag:s1] =	ssyncadd.s32 $0xFFFF8000  }
.LBB2_1:
0x26: {  	[dreg:$0x6] =	wrdreg s4  }
0x27: {  	s0 =	rddreg [dreg:$0x4]  }
0x28: {  	s1 =	simm.s32 $0x80;
	s6 =	simm.s32 $0x400;
	s10 =	simm.s32 $0x5  }
0x29: {  	[tilespmem:s2], [sflag:$0x5] =	stream.strided.gather [hbm4b:s0+s1], $0x200, s6, s1, $0x38;
	[tilespmem:$0x10200] =	vst v63  }
0x2a: {  	_ =	swait.ge [sflag:s10], $0x200  }
0x2b: {  	[sflag:s10] =	ssyncset.done $0x0  }
0x2c: {  	[sflag:s10] =	ssyncadd.s32 $0xFFFFFE00  }
0x2d: {  	v2 =	vld.msk [tilespmem:$0x0], $0xff;
	_ =	sdelay $0x4  }
0x2e: {  	v3 =	vshll.u32 v2, $0x6  }
0x2f: {  	v2 =	vand.u32 $0x7, v2;
	v3 =	vand.u32 $0xFFFFFE00, v3  }
0x30: {  	v2 =	vor.u32 v2, v3  }
0x31: {  	v2 =	vperm.xlane v2, v0;
	_ =	sdelay $0x1  }
0x32: {  	v2 =	vadd.s32 v1, v2;
	_ =	sdelay $0x4  }
0x33: {  	[tilespmem:s12], [sflag:$0x1] =	stream.indirect_vreg.gather [hbm4b:s5+s2], $0x80, v2, vm0, $0xb8;
	[tilespmem:$0x10200] =	vst v63  }
0x34: {  	s11 =	simm.s32 $0xA00  }
0x35: {  	[tilespmem:s11], [sflag:$0x1] =	stream.indirect_vreg.gather [hbm4b:s13+s2], $0x80, v2, vm0, $0xb8;
	[tilespmem:$0x10200] =	vst v63  }
0x36: {  	s14 =	simm.s32 $0x1200  }
0x37: {  	[tilespmem:s14], [sflag:$0x1] =	stream.indirect_vreg.gather [hbm4b:s15+s2], $0x80, v2, vm0, $0xb8;
	[tilespmem:$0x10200] =	vst v63  }
0x38: {  	s16 =	simm.s32 $0x1A00  }
0x39: {  	[tilespmem:s16], [sflag:$0x1] =	stream.indirect_vreg.gather [hbm4b:s17+s2], $0x80, v2, vm0, $0xb8;
	[tilespmem:$0x10200] =	vst v63  }
0x3a: {  	s18 =	simm.s32 $0x2200  }
0x3b: {  	[tilespmem:s18], [sflag:$0x1] =	stream.indirect_vreg.gather [hbm4b:s19+s2], $0x80, v2, vm0, $0xb8;
	[tilespmem:$0x10200] =	vst v63  }
0x3c: {  	s20 =	simm.s32 $0x2A00  }
0x3d: {  	[tilespmem:s20], [sflag:$0x1] =	stream.indirect_vreg.gather [hbm4b:s21+s2], $0x80, v2, vm0, $0xb8;
	[tilespmem:$0x10200] =	vst v63  }
0x3e: {  	s22 =	simm.s32 $0x3200;
	s1 =	sadd.s32 $0x600, s5  }
0x3f: {  	[tilespmem:s22], [sflag:$0x1] =	stream.indirect_vreg.gather [hbm4b:s1+s2], $0x80, v2, vm0, $0xb8;
	[tilespmem:$0x10200] =	vst v63  }
0x40: {  	s23 =	simm.s32 $0x3A00;
	s0 =	sadd.s32 $0x700, s5  }
0x41: {  	[tilespmem:s23], [sflag:$0x1] =	stream.indirect_vreg.gather [hbm4b:s0+s2], $0x80, v2, vm0, $0xb8;
	[tilespmem:$0x10200] =	vst v63  }
0x42: {  	s24 =	simm.s32 $0x4200;
	s10 =	sadd.s32 $0x800, s5  }
0x43: {  	[tilespmem:s24], [sflag:$0x1] =	stream.indirect_vreg.gather [hbm4b:s10+s2], $0x80, v2, vm0, $0xb8;
	[tilespmem:$0x10200] =	vst v63  }
0x44: {  	s4 =	sadd.s32 $0x900, s5;
	s6 =	simm.s32 $0x4A00  }
0x45: {  	[tilespmem:s6], [sflag:$0x1] =	stream.indirect_vreg.gather [hbm4b:s4+s2], $0x80, v2, vm0, $0xb8;
	[tilespmem:$0x10200] =	vst v63  }
0x46: {  	s11 =	simm.s32 $0x5200;
	s6 =	sadd.s32 $0xA00, s5  }
0x47: {  	[tilespmem:s11], [sflag:$0x1] =	stream.indirect_vreg.gather [hbm4b:s6+s2], $0x80, v2, vm0, $0xb8;
	[tilespmem:$0x10200] =	vst v63  }
0x48: {  	s14 =	simm.s32 $0x5A00;
	s11 =	sadd.s32 $0xB00, s5  }
0x49: {  	[tilespmem:s14], [sflag:$0x1] =	stream.indirect_vreg.gather [hbm4b:s11+s2], $0x80, v2, vm0, $0xb8;
	[tilespmem:$0x10200] =	vst v63  }
0x4a: {  	s16 =	simm.s32 $0x6200;
	s14 =	sadd.s32 $0xC00, s5  }
0x4b: {  	[tilespmem:s16], [sflag:$0x1] =	stream.indirect_vreg.gather [hbm4b:s14+s2], $0x80, v2, vm0, $0xb8;
	[tilespmem:$0x10200] =	vst v63  }
0x4c: {  	s18 =	simm.s32 $0x6A00;
	s16 =	sadd.s32 $0xD00, s5  }
0x4d: {  	[tilespmem:s18], [sflag:$0x1] =	stream.indirect_vreg.gather [hbm4b:s16+s2], $0x80, v2, vm0, $0xb8;
	[tilespmem:$0x10200] =	vst v63  }
0x4e: {  	s20 =	simm.s32 $0x7200;
	s18 =	sadd.s32 $0xE00, s5  }
0x4f: {  	[tilespmem:s20], [sflag:$0x1] =	stream.indirect_vreg.gather [hbm4b:s18+s2], $0x80, v2, vm0, $0xb8;
	[tilespmem:$0x10200] =	vst v63  }
0x50: {  	s22 =	simm.s32 $0x7A00;
	s20 =	sadd.s32 $0xF00, s5  }
0x51: {  	[tilespmem:s22], [sflag:$0x1] =	stream.indirect_vreg.gather [hbm4b:s20+s2], $0x80, v2, vm0, $0xb8;
	[tilespmem:$0x10200] =	vst v63  }
0x52: {  	s23 =	simm.s32 $0x0;
	s22 =	simm.s32 $0x10  }
.LBB2_2:
0x53: {  	_ =	swait.ge [sflag:s3], $0x8000  }
0x54: {  	[sflag:s3] =	ssyncset.done $0x0  }
0x55: {  	s24 =	sadd.s32 s23, s8;
	p0 =	seq.s32 s23, $0x0;
	[sflag:s3] =	ssyncadd.s32 $0xFFFF8000  }
0x56: {  	[hbm4b:s24+s2] =	stream.linear.scatter [tilespmem:s12], [sflag:$0x3], $0x8000, $0x38;
	[tilespmem:$0x10200] =	vst v63  }
0x57: {  	s24 =	simm.s32 @!p0 $0x4  }
0x58: {  	_ =	swait.ge @!p0 [sflag:s24], $0x8000  }
0x59: {  	[sflag:s24] =	ssyncset.done @!p0 $0x0  }
0x5a: {  	[sflag:s24] =	ssyncadd.s32 @!p0 $0xFFFF8000  }
0x5b: {  	v2 =	vld.msk [tilespmem:s22+$0xFFFFFFF8], $0xff;
	_ =	sdelay $0x4  }
0x5c: {  	v3 =	vshll.u32 v2, $0x6  }
0x5d: {  	v2 =	vand.u32 $0x7, v2;
	v3 =	vand.u32 $0xFFFFFE00, v3  }
0x5e: {  	v2 =	vor.u32 v2, v3  }
0x5f: {  	v2 =	vperm.xlane v2, v0;
	_ =	sdelay $0x1  }
0x60: {  	v2 =	vadd.s32 v1, v2;
	_ =	sdelay $0x4  }
0x61: {  	[tilespmem:s9], [sflag:$0x2] =	stream.indirect_vreg.gather [hbm4b:s5+s2], $0x80, v2, vm0, $0xb8;
	[tilespmem:$0x10200] =	vst v63  }
0x62: {  	s24 =	simm.s32 $0x8A00  }
0x63: {  	[tilespmem:s24], [sflag:$0x2] =	stream.indirect_vreg.gather [hbm4b:s13+s2], $0x80, v2, vm0, $0xb8;
	[tilespmem:$0x10200] =	vst v63  }
0x64: {  	s24 =	simm.s32 $0x9200  }
0x65: {  	[tilespmem:s24], [sflag:$0x2] =	stream.indirect_vreg.gather [hbm4b:s15+s2], $0x80, v2, vm0, $0xb8;
	[tilespmem:$0x10200] =	vst v63  }
0x66: {  	s24 =	simm.s32 $0x9A00  }
0x67: {  	[tilespmem:s24], [sflag:$0x2] =	stream.indirect_vreg.gather [hbm4b:s17+s2], $0x80, v2, vm0, $0xb8;
	[tilespmem:$0x10200] =	vst v63  }
0x68: {  	s24 =	simm.s32 $0xA200  }
0x69: {  	[tilespmem:s24], [sflag:$0x2] =	stream.indirect_vreg.gather [hbm4b:s19+s2], $0x80, v2, vm0, $0xb8;
	[tilespmem:$0x10200] =	vst v63  }
0x6a: {  	s24 =	simm.s32 $0xAA00  }
0x6b: {  	[tilespmem:s24], [sflag:$0x2] =	stream.indirect_vreg.gather [hbm4b:s21+s2], $0x80, v2, vm0, $0xb8;
	[tilespmem:$0x10200] =	vst v63  }
0x6c: {  	s24 =	simm.s32 $0xB200  }
0x6d: {  	[tilespmem:s24], [sflag:$0x2] =	stream.indirect_vreg.gather [hbm4b:s1+s2], $0x80, v2, vm0, $0xb8;
	[tilespmem:$0x10200] =	vst v63  }
0x6e: {  	s24 =	simm.s32 $0xBA00  }
0x6f: {  	[tilespmem:s24], [sflag:$0x2] =	stream.indirect_vreg.gather [hbm4b:s0+s2], $0x80, v2, vm0, $0xb8;
	[tilespmem:$0x10200] =	vst v63  }
0x70: {  	s24 =	simm.s32 $0xC200  }
0x71: {  	[tilespmem:s24], [sflag:$0x2] =	stream.indirect_vreg.gather [hbm4b:s10+s2], $0x80, v2, vm0, $0xb8;
	[tilespmem:$0x10200] =	vst v63  }
0x72: {  	s24 =	simm.s32 $0xCA00  }
0x73: {  	[tilespmem:s24], [sflag:$0x2] =	stream.indirect_vreg.gather [hbm4b:s4+s2], $0x80, v2, vm0, $0xb8;
	[tilespmem:$0x10200] =	vst v63  }
0x74: {  	s24 =	simm.s32 $0xD200  }
0x75: {  	[tilespmem:s24], [sflag:$0x2] =	stream.indirect_vreg.gather [hbm4b:s6+s2], $0x80, v2, vm0, $0xb8;
	[tilespmem:$0x10200] =	vst v63  }
0x76: {  	s24 =	simm.s32 $0xDA00  }
0x77: {  	[tilespmem:s24], [sflag:$0x2] =	stream.indirect_vreg.gather [hbm4b:s11+s2], $0x80, v2, vm0, $0xb8;
	[tilespmem:$0x10200] =	vst v63  }
0x78: {  	_ = 	snop  }
0x79: {  	[tilespmem:s25], [sflag:$0x2] =	stream.indirect_vreg.gather [hbm4b:s14+s2], $0x80, v2, vm0, $0xb8;
	[tilespmem:$0x10200] =	vst v63  }
0x7a: {  	_ = 	snop  }
0x7b: {  	[tilespmem:s26], [sflag:$0x2] =	stream.indirect_vreg.gather [hbm4b:s16+s2], $0x80, v2, vm0, $0xb8;
	[tilespmem:$0x10200] =	vst v63  }
0x7c: {  	_ = 	snop  }
0x7d: {  	[tilespmem:s28], [sflag:$0x2] =	stream.indirect_vreg.gather [hbm4b:s18+s2], $0x80, v2, vm0, $0xb8;
	[tilespmem:$0x10200] =	vst v63  }
0x7e: {  	_ = 	snop  }
0x7f: {  	[tilespmem:s29], [sflag:$0x2] =	stream.indirect_vreg.gather [hbm4b:s20+s2], $0x80, v2, vm0, $0xb8;
	[tilespmem:$0x10200] =	vst v63  }
0x80: {  	_ =	swait.ge [sflag:s30], $0x8000  }
0x81: {  	p0 =	seq.s32 s23, $0x7C000;
	[sflag:s30] =	ssyncset.done $0x0  }
.Ltmp2:
0x82: {  	s24 =	sadd.s32 s23, s7;
	[sflag:s30] =	ssyncadd.s32 $0xFFFF8000;
	(pc) =	sbr.rel @p0 .LBB2_4-.Ltmp2, $4  }
0x83: {  	[hbm4b:s24+s2] =	stream.linear.scatter [tilespmem:s9], [sflag:$0x4], $0x8000, $0x38;
	[tilespmem:$0x10200] =	vst v63  }
0x84: {  	_ =	swait.ge [sflag:s31], $0x8000  }
0x85: {  	[sflag:s31] =	ssyncset.done $0x0  }
0x86: {  	[sflag:s31] =	ssyncadd.s32 $0xFFFF8000  }
0x87: {  	v2 =	vld.msk [tilespmem:s22+$0x0], $0xff;
	_ =	sdelay $0x4  }
0x88: {  	v3 =	vshll.u32 v2, $0x6  }
0x89: {  	v2 =	vand.u32 $0x7, v2;
	v3 =	vand.u32 $0xFFFFFE00, v3  }
0x8a: {  	v2 =	vor.u32 v2, v3  }
0x8b: {  	v2 =	vperm.xlane v2, v0;
	_ =	sdelay $0x1  }
0x8c: {  	v2 =	vadd.s32 v1, v2;
	_ =	sdelay $0x4  }
0x8d: {  	[tilespmem:s12], [sflag:$0x1] =	stream.indirect_vreg.gather [hbm4b:s5+s2], $0x80, v2, vm0, $0xb8;
	[tilespmem:$0x10200] =	vst v63  }
0x8e: {  	s24 =	simm.s32 $0xA00  }
0x8f: {  	[tilespmem:s24], [sflag:$0x1] =	stream.indirect_vreg.gather [hbm4b:s13+s2], $0x80, v2, vm0, $0xb8;
	[tilespmem:$0x10200] =	vst v63  }
0x90: {  	s24 =	simm.s32 $0x1200  }
0x91: {  	[tilespmem:s24], [sflag:$0x1] =	stream.indirect_vreg.gather [hbm4b:s15+s2], $0x80, v2, vm0, $0xb8;
	[tilespmem:$0x10200] =	vst v63  }
0x92: {  	s24 =	simm.s32 $0x1A00  }
0x93: {  	[tilespmem:s24], [sflag:$0x1] =	stream.indirect_vreg.gather [hbm4b:s17+s2], $0x80, v2, vm0, $0xb8;
	[tilespmem:$0x10200] =	vst v63  }
0x94: {  	s24 =	simm.s32 $0x2200  }
0x95: {  	[tilespmem:s24], [sflag:$0x1] =	stream.indirect_vreg.gather [hbm4b:s19+s2], $0x80, v2, vm0, $0xb8;
	[tilespmem:$0x10200] =	vst v63  }
0x96: {  	s24 =	simm.s32 $0x2A00  }
0x97: {  	[tilespmem:s24], [sflag:$0x1] =	stream.indirect_vreg.gather [hbm4b:s21+s2], $0x80, v2, vm0, $0xb8;
	[tilespmem:$0x10200] =	vst v63  }
0x98: {  	s24 =	simm.s32 $0x3200  }
0x99: {  	[tilespmem:s24], [sflag:$0x1] =	stream.indirect_vreg.gather [hbm4b:s1+s2], $0x80, v2, vm0, $0xb8;
	[tilespmem:$0x10200] =	vst v63  }
0x9a: {  	s24 =	simm.s32 $0x3A00  }
0x9b: {  	[tilespmem:s24], [sflag:$0x1] =	stream.indirect_vreg.gather [hbm4b:s0+s2], $0x80, v2, vm0, $0xb8;
	[tilespmem:$0x10200] =	vst v63  }
0x9c: {  	s24 =	simm.s32 $0x4200  }
0x9d: {  	[tilespmem:s24], [sflag:$0x1] =	stream.indirect_vreg.gather [hbm4b:s10+s2], $0x80, v2, vm0, $0xb8;
	[tilespmem:$0x10200] =	vst v63  }
0x9e: {  	s24 =	simm.s32 $0x4A00  }
0x9f: {  	[tilespmem:s24], [sflag:$0x1] =	stream.indirect_vreg.gather [hbm4b:s4+s2], $0x80, v2, vm0, $0xb8;
	[tilespmem:$0x10200] =	vst v63  }
0xa0: {  	s24 =	simm.s32 $0x5200  }
0xa1: {  	[tilespmem:s24], [sflag:$0x1] =	stream.indirect_vreg.gather [hbm4b:s6+s2], $0x80, v2, vm0, $0xb8;
	[tilespmem:$0x10200] =	vst v63  }
0xa2: {  	s24 =	simm.s32 $0x5A00  }
0xa3: {  	[tilespmem:s24], [sflag:$0x1] =	stream.indirect_vreg.gather [hbm4b:s11+s2], $0x80, v2, vm0, $0xb8;
	[tilespmem:$0x10200] =	vst v63  }
0xa4: {  	s24 =	simm.s32 $0x6200  }
0xa5: {  	[tilespmem:s24], [sflag:$0x1] =	stream.indirect_vreg.gather [hbm4b:s14+s2], $0x80, v2, vm0, $0xb8;
	[tilespmem:$0x10200] =	vst v63  }
0xa6: {  	s24 =	simm.s32 $0x6A00  }
0xa7: {  	[tilespmem:s24], [sflag:$0x1] =	stream.indirect_vreg.gather [hbm4b:s16+s2], $0x80, v2, vm0, $0xb8;
	[tilespmem:$0x10200] =	vst v63  }
.Ltmp3:
0xa8: {  	_ = 	snop;
	(pc) =	sbr.rel .LBB2_2-.Ltmp3, $4  }
0xa9: {  	s24 =	simm.s32 $0x7200  }
0xaa: {  	[tilespmem:s24], [sflag:$0x1] =	stream.indirect_vreg.gather [hbm4b:s18+s2], $0x80, v2, vm0, $0xb8;
	[tilespmem:$0x10200] =	vst v63  }
0xab: {  	s23 =	sadd.s32 $0x4000, s23;
	s22 =	sadd.s32 $0x10, s22;
	s24 =	simm.s32 $0x7A00  }
0xac: {  	[tilespmem:s24], [sflag:$0x1] =	stream.indirect_vreg.gather [hbm4b:s20+s2], $0x80, v2, vm0, $0xb8;
	[tilespmem:$0x10200] =	vst v63  }
.LBB2_5:
0xad: {  	_ =	sfence.sel $0x180000  }
0xae: {  	[bflag:$0x0] =	sbarrier.arrive $0xFFFF  }
0xaf: {  	_ =	strace $0x90000047  }
0xb0: {  	s0 =	stileid.u32;
	[bflag:$0x2] =	sbarrier.arrive $0xFFFF  }
0xb1: {  	p0 =	sne.s32 s0, $0x0;
	s0 =	rddreg [dreg:$0x3]  }
0xb2: {  	s0 =	sadd.s32 @!p0 $0x100000, s0  }
0xb3: {  	[sflag:s0] =	ssyncadd.tile.s32 @!p0 $0x1;
	_ =	shalt  }
.Lfunc_end2:
_tile_overlayer_lowered:
.L_overlay_start_2:
0xb4: {  	(tag) =	ssettag $0x2  }
0xb5: {  	s0 =	rddreg [dreg:$0x0];
	s2 =	stileid.u32  }
0xb6: {  	s1 =	rddreg [dreg:$0x1];
	p0 =	sne.s32 s2, $0x0  }
0xb7: {  	s3 =	rddreg [dreg:$0x2];
	[bflag:$0x3] =	sbarrier.arrive $0xFFFF;
	s2 =	simm.s32 @!p0 $0x1C05  }
0xb8: {  	[timem:s3], [sflag:s2] =	dma.local @!p0 [hbm:s0], s1  }
0xb9: {  	s0 =	simm.s32 @!p0 $0x5  }
0xba: {  	_ =	swait.ge @!p0 [sflag:s0], s1  }
0xbb: {  	s1 =	ssub.s32 @!p0 $0x0, s1;
	[sflag:s0] =	ssyncset.done @!p0 $0x0  }
0xbc: {  	[sflag:s0] =	ssyncadd.s32 @!p0 s1  }
0xbd: {  	[bflag:$0x3] =	sbarrier.arrive $0xFFFF  }
0xbe: {  	_ =	shalt  }

</sc_bundles>
